<compile_context>
chip_gen: v7x
topology: tpu7x:2x2x1
jax: 0.10.2.dev20260603
libtpu: 0.0.44.dev20260713+nightly
codegen_flags: <defaults>
</compile_context>

<pallas_src>
import functools

import jax
import jax.numpy as jnp
from jax import lax
from jax.experimental import pallas as pl
from jax.experimental.pallas import tpu as pltpu
from jax.experimental.pallas import tpu_sc as plsc

N_REQS = 16
MAX_N_REQS = 64
N_TOKENS = 32768

NC = 1
NS = 16
L = 16
NW = NC * NS
TOK_PER_W = N_TOKENS // NW
VECS_PER_W = TOK_PER_W // L

_INT_INF = 2**31 - 1


def _body(idx_hbm, qsl_hbm, nct_hbm, pos_hbm, pos_out_hbm, seq_out_hbm,
          pos_v, qsl_v, idx_v, nct_v, off_v, seq_v, sem_meta, sem_pos):
    wid = lax.axis_index("s") * NC + lax.axis_index("c")
    base = wid * TOK_PER_W

    qsl_v[pl.ds(16, 16)] = jnp.full((16,), _INT_INF, jnp.int32)
    cp_pos = pltpu.async_copy(pos_hbm.at[pl.ds(base, TOK_PER_W)], pos_v,
                              sem_pos)
    cp_qsl = pltpu.async_copy(qsl_hbm, qsl_v.at[pl.ds(0, N_REQS + 1)],
                              sem_meta)
    cp_idx = pltpu.async_copy(idx_hbm, idx_v, sem_meta)
    cp_nct = pltpu.async_copy(nct_hbm, nct_v, sem_meta)
    cp_qsl.wait()
    cp_idx.wait()
    cp_nct.wait()

    qsl0 = qsl_v[pl.ds(0, N_REQS)]
    qsl1 = qsl_v[pl.ds(1, N_REQS)]
    idx = idx_v[...]
    nct_req = plsc.load_gather(nct_v, [idx])
    off_v[...] = nct_req - qsl0

    @pl.when(wid == 0)
    def _():
        seq_v[pl.ds(0, 16)] = nct_req + (qsl1 - qsl0)
        zeros = jnp.zeros((16,), jnp.int32)
        seq_v[pl.ds(16, 16)] = zeros
        seq_v[pl.ds(32, 16)] = zeros
        seq_v[pl.ds(48, 16)] = zeros
        pltpu.sync_copy(seq_v, seq_out_hbm)

    iota = lax.iota(jnp.int32, L)
    t_base = lax.broadcast_in_dim(base, (L,), ()) + iota
    qsl15 = plsc.load_gather(qsl_v, [jnp.full((L,), 15, jnp.int32)])

    cp_pos.wait()

    @plsc.parallel_loop(0, VECS_PER_W, 1, unroll=8)
    def token_vec(v):
        t = t_base + lax.broadcast_in_dim(v * L, (L,), ())
        c = jnp.where(qsl15 <= t, 16, 0).astype(jnp.int32)
        for step in (8, 4, 2, 1):
            k = c + step
            probe = plsc.load_gather(qsl_v, [k - 1])
            c = jnp.where(probe <= t, k, c)
        valid = (c >= 1) & (c <= N_REQS)
        req_c = jnp.clip(c - 1, 0, N_REQS - 1)
        off = plsc.load_gather(off_v, [req_c])
        newpos = (t + off).astype(jnp.float32)
        cur = pos_v[pl.ds(v * L, L)]
        pos_v[pl.ds(v * L, L)] = jnp.where(valid, newpos, cur)

    pltpu.sync_copy(pos_v, pos_out_hbm.at[pl.ds(base, TOK_PER_W)])


@jax.jit
def _run(idx_mapping, query_start_loc, num_computed_tokens, pos):
    mesh = plsc.VectorSubcoreMesh(
        core_axis_name="c", subcore_axis_name="s",
        num_cores=NC, num_subcores=NS)
    f = pl.kernel(
        _body,
        out_type=(
            jax.ShapeDtypeStruct((N_TOKENS,), jnp.float32),
            jax.ShapeDtypeStruct((MAX_N_REQS,), jnp.int32),
        ),
        mesh=mesh,
        scratch_types=[
            pltpu.VMEM((TOK_PER_W,), jnp.float32),
            pltpu.VMEM((32,), jnp.int32),
            pltpu.VMEM((N_REQS,), jnp.int32),
            pltpu.VMEM((MAX_N_REQS,), jnp.int32),
            pltpu.VMEM((N_REQS,), jnp.int32),
            pltpu.VMEM((MAX_N_REQS,), jnp.int32),
            pltpu.SemaphoreType.DMA,
            pltpu.SemaphoreType.DMA,
        ],
        compiler_params=pltpu.CompilerParams(needs_layout_passes=False),
    )
    return f(idx_mapping, query_start_loc, num_computed_tokens, pos)


def kernel(idx_mapping, query_start_loc, num_computed_tokens, pos, seq_lens):
    return _run(idx_mapping, query_start_loc, num_computed_tokens, pos)

# --- scband reference (transcript-rebuilt; emitter-appended) ---
"""Pipeline reference for scband-model-87333864997450 (READ-ONLY COPY).

The authoritative reference and input builder live on the scoring server;
editing this copy changes nothing except your own understanding.
"""

import jax, jax.numpy as jnp
import numpy as np

NUM_REQS = 16
MAX_NUM_REQS = 64
NUM_TOKENS = 32768


def setup_inputs(seed: int = 0) -> dict:
    key = jax.random.key(seed)
    k1, k2, k3 = jax.random.split(key, 3)
    idx_mapping = jax.random.randint(k1, (NUM_REQS,), 0, MAX_NUM_REQS, dtype=jnp.int32)
    query_start_loc = jnp.sort(jax.random.randint(k2, (NUM_REQS + 1,), 0, NUM_TOKENS, dtype=jnp.int32))
    num_computed_tokens = jax.random.randint(k3, (MAX_NUM_REQS,), 0, 4096, dtype=jnp.int32)
    pos = jnp.zeros((NUM_TOKENS,), dtype=jnp.float32)
    seq_lens = jnp.zeros((MAX_NUM_REQS,), dtype=jnp.int32)
    return {
        "idx_mapping": idx_mapping,
        "query_start_loc": query_start_loc,
        "num_computed_tokens": num_computed_tokens,
        "pos": pos,
        "seq_lens": seq_lens,
    }


def reference(idx_mapping, query_start_loc, num_computed_tokens, pos, seq_lens):
    num_reqs = idx_mapping.shape[0]
    max_num_reqs = seq_lens.shape[0]
    num_tokens = pos.shape[0]

    # seq_lens: per-request seq_len = num_computed_tokens[idx_mapping[r]] + query_len[r];
    # entries in [num_reqs, max_num_reqs) are zeroed by the kernel's tail program.
    nct = jnp.take(num_computed_tokens, idx_mapping, axis=0)  # [num_reqs], gather
    query_lens = query_start_loc[1:] - query_start_loc[:-1]   # [num_reqs]
    seq_lens_out = jnp.zeros((max_num_reqs,), dtype=seq_lens.dtype).at[:num_reqs].set(
        (nct + query_lens).astype(seq_lens.dtype)
    )

    # pos: for each request r, pos[start_r + b] = nct_r + b for b in [0, query_len_r).
    # Tokens not covered by any [start_r, end_r) keep their original pos value.
    t = jnp.arange(num_tokens, dtype=jnp.int32)
    req = jnp.searchsorted(query_start_loc, t, side="right") - 1
    valid = (req >= 0) & (req < num_reqs)
    req_c = jnp.clip(req, 0, num_reqs - 1)
    start = jnp.take(query_start_loc, req_c, axis=0)
    newpos = (jnp.take(nct, req_c, axis=0) + (t - start)).astype(pos.dtype)
    pos_out = jnp.where(valid, newpos, pos)

    return (pos_out, seq_lens_out)

if __name__ == "__main__":
    import jax
    _d = setup_inputs()
    print(jax.jit(kernel)(*tuple(_d.values())))

</pallas_src>

<mosaic_0001>
#map = affine_map<(d0, d1) -> (0)>
module attributes {stable_mosaic.version = 14 : i64} {
  func.func @_body(%arg0: i32, %arg1: i32, %arg2: memref<16xi32, #tpu.memory_space<hbm>>, %arg3: memref<17xi32, #tpu.memory_space<hbm>>, %arg4: memref<64xi32, #tpu.memory_space<hbm>>, %arg5: memref<32768xf32, #tpu.memory_space<hbm>>, %arg6: memref<32768xf32, #tpu.memory_space<hbm>>, %arg7: memref<64xi32, #tpu.memory_space<hbm>>, %arg8: memref<2048xf32, #tpu.memory_space<vmem>>, %arg9: memref<32xi32, #tpu.memory_space<vmem>>, %arg10: memref<16xi32, #tpu.memory_space<vmem>>, %arg11: memref<64xi32, #tpu.memory_space<vmem>>, %arg12: memref<16xi32, #tpu.memory_space<vmem>>, %arg13: memref<64xi32, #tpu.memory_space<vmem>>, %arg14: memref<!tpu.dma_semaphore, #tpu.memory_space<semaphore_mem>>, %arg15: memref<!tpu.dma_semaphore, #tpu.memory_space<semaphore_mem>>) attributes {dimension_semantics = [#tpu.dimension_semantics<core_parallel>, #tpu.dimension_semantics<subcore_parallel>], iteration_bounds = array<i64: 1, 16>, scalar_prefetch = 0 : i64, scratch_operands = 8 : i64, tpu.core_type = #tpu.core_type<sc_vector_subcore>, window_params = [{transform_indices = #map}, {transform_indices = #map}, {transform_indices = #map}, {transform_indices = #map}, {transform_indices = #map}, {transform_indices = #map}]} {
    %mul3A = arith.constant 1 : i32
    %mul3A_0 = arith.muli %arg1, %mul3A : i32
    %add3A = arith.addi %mul3A_0, %arg0 : i32
    %mul3A_1 = arith.constant 2048 : i32
    %mul3A_2 = arith.muli %add3A, %mul3A_1 : i32
    %broadcast_in_dim3A = arith.constant 2147483647 : i32
    %broadcast_in_dim3A_3 = vector.broadcast %broadcast_in_dim3A : i32 to vector<16xi32>
    %swap3A = arith.constant 16 : index
    %swap3A_4 = tpu.vector_load %arg9[%swap3A] {strides = array<i32>} : memref<32xi32, #tpu.memory_space<vmem>>, vector<16xi32>,
    tpu.vector_store %arg9[%swap3A], %broadcast_in_dim3A_3 {strides = array<i32>} : memref<32xi32, #tpu.memory_space<vmem>>, vector<16xi32>,
    %dma_start3A = tpu.memref_slice %arg5[%mul3A_2] : memref<32768xf32, #tpu.memory_space<hbm>> -> memref<2048xf32, #tpu.memory_space<hbm>>
    %dma_start3A_5 = tpu.memref_slice %arg5[%mul3A_2] : memref<32768xf32, #tpu.memory_space<hbm>> -> memref<2048xf32, #tpu.memory_space<hbm>>
    tpu.enqueue_dma source(%dma_start3A_5 : memref<2048xf32, #tpu.memory_space<hbm>>) target(%arg8 : memref<2048xf32, #tpu.memory_space<vmem>>) target_semaphore(%arg15 : memref<!tpu.dma_semaphore, #tpu.memory_space<semaphore_mem>>)
    %dma_start3A_6 = arith.constant 0 : i32
    %dma_start3A_7 = tpu.memref_slice %arg9[%dma_start3A_6] : memref<32xi32, #tpu.memory_space<vmem>> -> memref<17xi32, #tpu.memory_space<vmem>>
    %dma_start3A_8 = arith.constant 0 : i32
    %dma_start3A_9 = tpu.memref_slice %arg9[%dma_start3A_8] : memref<32xi32, #tpu.memory_space<vmem>> -> memref<17xi32, #tpu.memory_space<vmem>>
    tpu.enqueue_dma source(%arg3 : memref<17xi32, #tpu.memory_space<hbm>>) target(%dma_start3A_9 : memref<17xi32, #tpu.memory_space<vmem>>) target_semaphore(%arg14 : memref<!tpu.dma_semaphore, #tpu.memory_space<semaphore_mem>>)
    tpu.enqueue_dma source(%arg2 : memref<16xi32, #tpu.memory_space<hbm>>) target(%arg10 : memref<16xi32, #tpu.memory_space<vmem>>) target_semaphore(%arg14 : memref<!tpu.dma_semaphore, #tpu.memory_space<semaphore_mem>>)
    tpu.enqueue_dma source(%arg4 : memref<64xi32, #tpu.memory_space<hbm>>) target(%arg11 : memref<64xi32, #tpu.memory_space<vmem>>) target_semaphore(%arg14 : memref<!tpu.dma_semaphore, #tpu.memory_space<semaphore_mem>>)
    %dma_wait3A = arith.constant 0 : i32
    %dma_wait3A_10 = tpu.memref_slice %arg9[%dma_wait3A] : memref<32xi32, #tpu.memory_space<vmem>> -> memref<17xi32, #tpu.memory_space<vmem>>
    %dma_wait3A_11 = arith.constant 0 : i32
    %dma_wait3A_12 = tpu.memref_slice %arg9[%dma_wait3A_11] : memref<32xi32, #tpu.memory_space<vmem>> -> memref<17xi32, #tpu.memory_space<vmem>>
    tpu.wait_dma2 semaphore(%arg14 : memref<!tpu.dma_semaphore, #tpu.memory_space<semaphore_mem>>) src(%arg3 : memref<17xi32, #tpu.memory_space<hbm>>) dst(%dma_wait3A_12 : memref<17xi32, #tpu.memory_space<vmem>>)
    tpu.wait_dma2 semaphore(%arg14 : memref<!tpu.dma_semaphore, #tpu.memory_space<semaphore_mem>>) src(%arg2 : memref<16xi32, #tpu.memory_space<hbm>>) dst(%arg10 : memref<16xi32, #tpu.memory_space<vmem>>)
    tpu.wait_dma2 semaphore(%arg14 : memref<!tpu.dma_semaphore, #tpu.memory_space<semaphore_mem>>) src(%arg4 : memref<64xi32, #tpu.memory_space<hbm>>) dst(%arg11 : memref<64xi32, #tpu.memory_space<vmem>>)
    %get3A = arith.constant 0 : index
    %get3A_13 = tpu.vector_load %arg9[%get3A] {strides = array<i32>} : memref<32xi32, #tpu.memory_space<vmem>>, vector<16xi32>,
    %get3A_14 = arith.constant 1 : index
    %get3A_15 = tpu.vector_load %arg9[%get3A_14] {strides = array<i32>} : memref<32xi32, #tpu.memory_space<vmem>>, vector<16xi32>,
    %get3A_16 = arith.constant 0 : index
    %get3A_17 = tpu.vector_load %arg10[%get3A_16] {strides = array<i32>} : memref<16xi32, #tpu.memory_space<vmem>>, vector<16xi32>,
    %gather3A = tpu.vector_load_idx %arg11[%get3A_17] : memref<64xi32, #tpu.memory_space<vmem>>[vector<16xi32>], vector<16xi32>,
    %sub3A = arith.subi %gather3A, %get3A_13 : vector<16xi32>
    %swap3A_18 = arith.constant 0 : index
    %swap3A_19 = tpu.vector_load %arg12[%swap3A_18] {strides = array<i32>} : memref<16xi32, #tpu.memory_space<vmem>>, vector<16xi32>,
    tpu.vector_store %arg12[%swap3A_18], %sub3A {strides = array<i32>} : memref<16xi32, #tpu.memory_space<vmem>>, vector<16xi32>,
    %eq3A = arith.constant 0 : i32
    %eq3A_20 = arith.cmpi eq, %add3A, %eq3A : i32
    %convert_element_type3A = arith.extui %eq3A_20 : i1 to i32
    %cond3A = arith.constant 0 : i32
    %cond3A_21 = arith.cmpi ne, %convert_element_type3A, %cond3A : i32
    scf.if %cond3A_21 {
      %sub3A_31 = arith.subi %get3A_15, %get3A_13 : vector<16xi32>
      %add3A_32 = arith.addi %gather3A, %sub3A_31 : vector<16xi32>
      %swap3A_33 = arith.constant 0 : index
      %swap3A_34 = tpu.vector_load %arg13[%swap3A_33] {strides = array<i32>} : memref<64xi32, #tpu.memory_space<vmem>>, vector<16xi32>,
      tpu.vector_store %arg13[%swap3A_33], %add3A_32 {strides = array<i32>} : memref<64xi32, #tpu.memory_space<vmem>>, vector<16xi32>,
      %broadcast_in_dim3A_35 = arith.constant 0 : i32
      %broadcast_in_dim3A_36 = vector.broadcast %broadcast_in_dim3A_35 : i32 to vector<16xi32>
      %swap3A_37 = arith.constant 16 : index
      %swap3A_38 = tpu.vector_load %arg13[%swap3A_37] {strides = array<i32>} : memref<64xi32, #tpu.memory_space<vmem>>, vector<16xi32>,
      tpu.vector_store %arg13[%swap3A_37], %broadcast_in_dim3A_36 {strides = array<i32>} : memref<64xi32, #tpu.memory_space<vmem>>, vector<16xi32>,
      %swap3A_39 = arith.constant 32 : index
      %swap3A_40 = tpu.vector_load %arg13[%swap3A_39] {strides = array<i32>} : memref<64xi32, #tpu.memory_space<vmem>>, vector<16xi32>,
      tpu.vector_store %arg13[%swap3A_39], %broadcast_in_dim3A_36 {strides = array<i32>} : memref<64xi32, #tpu.memory_space<vmem>>, vector<16xi32>,
      %swap3A_41 = arith.constant 48 : index
      %swap3A_42 = tpu.vector_load %arg13[%swap3A_41] {strides = array<i32>} : memref<64xi32, #tpu.memory_space<vmem>>, vector<16xi32>,
      tpu.vector_store %arg13[%swap3A_41], %broadcast_in_dim3A_36 {strides = array<i32>} : memref<64xi32, #tpu.memory_space<vmem>>, vector<16xi32>,
      "tpu.region"() ({
        %run_scoped3A = tpu.sem_alloc : memref<!tpu.dma_semaphore, #tpu.memory_space<semaphore_mem>>
        tpu.enqueue_dma source(%arg13 : memref<64xi32, #tpu.memory_space<vmem>>) target(%arg7 : memref<64xi32, #tpu.memory_space<hbm>>) target_semaphore(%run_scoped3A : memref<!tpu.dma_semaphore, #tpu.memory_space<semaphore_mem>>)
        tpu.wait_dma2 semaphore(%run_scoped3A : memref<!tpu.dma_semaphore, #tpu.memory_space<semaphore_mem>>) src(%arg13 : memref<64xi32, #tpu.memory_space<vmem>>) dst(%arg7 : memref<64xi32, #tpu.memory_space<hbm>>)
        tpu.yield
      }) : () -> ()
    } else {
    }
    %iota3A = tpu.iota {dimensions = array<i32: 0>} : vector<16xi32>
    %broadcast_in_dim3A_22 = vector.broadcast %mul3A_2 : i32 to vector<16xi32>
    %add3A_23 = arith.addi %broadcast_in_dim3A_22, %iota3A : vector<16xi32>
    %broadcast_in_dim3A_24 = arith.constant 15 : i32
    %broadcast_in_dim3A_25 = vector.broadcast %broadcast_in_dim3A_24 : i32 to vector<16xi32>
    %gather3A_26 = tpu.vector_load_idx %arg9[%broadcast_in_dim3A_25] : memref<32xi32, #tpu.memory_space<vmem>>[vector<16xi32>], vector<16xi32>,
    %dma_wait3A_27 = tpu.memref_slice %arg5[%mul3A_2] : memref<32768xf32, #tpu.memory_space<hbm>> -> memref<2048xf32, #tpu.memory_space<hbm>>
    %dma_wait3A_28 = tpu.memref_slice %arg5[%mul3A_2] : memref<32768xf32, #tpu.memory_space<hbm>> -> memref<2048xf32, #tpu.memory_space<hbm>>
    tpu.wait_dma2 semaphore(%arg15 : memref<!tpu.dma_semaphore, #tpu.memory_space<semaphore_mem>>) src(%dma_wait3A_28 : memref<2048xf32, #tpu.memory_space<hbm>>) dst(%arg8 : memref<2048xf32, #tpu.memory_space<vmem>>)
    %parallel_loop3A = arith.constant 0 : i32
    %parallel_loop3A_29 = arith.constant 128 : i32
    %parallel_loop3A_30 = arith.constant 1 : i32
    scf.for %parallel_loop3A_31 = %parallel_loop3A to %parallel_loop3A_29 step %parallel_loop3A_30  : i32 {
      %parallel_loop3A_32 = arith.constant 16 : i32
      %parallel_loop3A_33 = arith.muli %parallel_loop3A_31, %parallel_loop3A_32 : i32
      %parallel_loop3A_34 = vector.broadcast %parallel_loop3A_33 : i32 to vector<16xi32>
      %parallel_loop3A_35 = arith.addi %add3A_23, %parallel_loop3A_34 : vector<16xi32>
      %parallel_loop3A_36 = arith.cmpi sle, %gather3A_26, %parallel_loop3A_35 : vector<16xi32>
      %parallel_loop3A_37 = arith.constant 16 : i32
      %parallel_loop3A_38 = arith.constant 0 : i32
      %parallel_loop3A_39 = vector.broadcast %parallel_loop3A_37 : i32 to vector<16xi32>
      %parallel_loop3A_40 = vector.broadcast %parallel_loop3A_38 : i32 to vector<16xi32>
      %parallel_loop3A_41 = arith.select %parallel_loop3A_36, %parallel_loop3A_39, %parallel_loop3A_40 : vector<16xi1>, vector<16xi32>
      %parallel_loop3A_42 = arith.constant 8 : i32
      %parallel_loop3A_43 = vector.broadcast %parallel_loop3A_42 : i32 to vector<16xi32>
      %parallel_loop3A_44 = arith.addi %parallel_loop3A_41, %parallel_loop3A_43 : vector<16xi32>
      %parallel_loop3A_45 = arith.constant 1 : i32
      %parallel_loop3A_46 = vector.broadcast %parallel_loop3A_45 : i32 to vector<16xi32>
      %parallel_loop3A_47 = arith.subi %parallel_loop3A_44, %parallel_loop3A_46 : vector<16xi32>
      %parallel_loop3A_48 = tpu.vector_load_idx %arg9[%parallel_loop3A_47] : memref<32xi32, #tpu.memory_space<vmem>>[vector<16xi32>], vector<16xi32>,
      %parallel_loop3A_49 = arith.cmpi sle, %parallel_loop3A_48, %parallel_loop3A_35 : vector<16xi32>
      %parallel_loop3A_50 = arith.select %parallel_loop3A_49, %parallel_loop3A_44, %parallel_loop3A_41 : vector<16xi1>, vector<16xi32>
      %parallel_loop3A_51 = arith.constant 4 : i32
      %parallel_loop3A_52 = vector.broadcast %parallel_loop3A_51 : i32 to vector<16xi32>
      %parallel_loop3A_53 = arith.addi %parallel_loop3A_50, %parallel_loop3A_52 : vector<16xi32>
      %parallel_loop3A_54 = arith.constant 1 : i32
      %parallel_loop3A_55 = vector.broadcast %parallel_loop3A_54 : i32 to vector<16xi32>
      %parallel_loop3A_56 = arith.subi %parallel_loop3A_53, %parallel_loop3A_55 : vector<16xi32>
      %parallel_loop3A_57 = tpu.vector_load_idx %arg9[%parallel_loop3A_56] : memref<32xi32, #tpu.memory_space<vmem>>[vector<16xi32>], vector<16xi32>,
      %parallel_loop3A_58 = arith.cmpi sle, %parallel_loop3A_57, %parallel_loop3A_35 : vector<16xi32>
      %parallel_loop3A_59 = arith.select %parallel_loop3A_58, %parallel_loop3A_53, %parallel_loop3A_50 : vector<16xi1>, vector<16xi32>
      %parallel_loop3A_60 = arith.constant 2 : i32
      %parallel_loop3A_61 = vector.broadcast %parallel_loop3A_60 : i32 to vector<16xi32>
      %parallel_loop3A_62 = arith.addi %parallel_loop3A_59, %parallel_loop3A_61 : vector<16xi32>
      %parallel_loop3A_63 = arith.constant 1 : i32
      %parallel_loop3A_64 = vector.broadcast %parallel_loop3A_63 : i32 to vector<16xi32>
      %parallel_loop3A_65 = arith.subi %parallel_loop3A_62, %parallel_loop3A_64 : vector<16xi32>
      %parallel_loop3A_66 = tpu.vector_load_idx %arg9[%parallel_loop3A_65] : memref<32xi32, #tpu.memory_space<vmem>>[vector<16xi32>], vector<16xi32>,
      %parallel_loop3A_67 = arith.cmpi sle, %parallel_loop3A_66, %parallel_loop3A_35 : vector<16xi32>
      %parallel_loop3A_68 = arith.select %parallel_loop3A_67, %parallel_loop3A_62, %parallel_loop3A_59 : vector<16xi1>, vector<16xi32>
      %parallel_loop3A_69 = arith.constant 1 : i32
      %parallel_loop3A_70 = vector.broadcast %parallel_loop3A_69 : i32 to vector<16xi32>
      %parallel_loop3A_71 = arith.addi %parallel_loop3A_68, %parallel_loop3A_70 : vector<16xi32>
      %parallel_loop3A_72 = arith.constant 1 : i32
      %parallel_loop3A_73 = vector.broadcast %parallel_loop3A_72 : i32 to vector<16xi32>
      %parallel_loop3A_74 = arith.subi %parallel_loop3A_71, %parallel_loop3A_73 : vector<16xi32>
      %parallel_loop3A_75 = tpu.vector_load_idx %arg9[%parallel_loop3A_74] : memref<32xi32, #tpu.memory_space<vmem>>[vector<16xi32>], vector<16xi32>,
      %parallel_loop3A_76 = arith.cmpi sle, %parallel_loop3A_75, %parallel_loop3A_35 : vector<16xi32>
      %parallel_loop3A_77 = arith.select %parallel_loop3A_76, %parallel_loop3A_71, %parallel_loop3A_68 : vector<16xi1>, vector<16xi32>
      %parallel_loop3A_78 = arith.constant 1 : i32
      %parallel_loop3A_79 = vector.broadcast %parallel_loop3A_78 : i32 to vector<16xi32>
      %parallel_loop3A_80 = arith.cmpi sge, %parallel_loop3A_77, %parallel_loop3A_79 : vector<16xi32>
      %parallel_loop3A_81 = arith.constant 16 : i32
      %parallel_loop3A_82 = vector.broadcast %parallel_loop3A_81 : i32 to vector<16xi32>
      %parallel_loop3A_83 = arith.cmpi sle, %parallel_loop3A_77, %parallel_loop3A_82 : vector<16xi32>
      %parallel_loop3A_84 = arith.andi %parallel_loop3A_80, %parallel_loop3A_83 : vector<16xi1>
      %parallel_loop3A_85 = arith.constant 1 : i32
      %parallel_loop3A_86 = vector.broadcast %parallel_loop3A_85 : i32 to vector<16xi32>
      %parallel_loop3A_87 = arith.subi %parallel_loop3A_77, %parallel_loop3A_86 : vector<16xi32>
      %parallel_loop3A_88 = arith.constant 0 : i32
      %parallel_loop3A_89 = arith.constant 15 : i32
      %parallel_loop3A_90 = vector.broadcast %parallel_loop3A_88 : i32 to vector<16xi32>
      %parallel_loop3A_91 = arith.maxsi %parallel_loop3A_90, %parallel_loop3A_87 : vector<16xi32>
      %parallel_loop3A_92 = vector.broadcast %parallel_loop3A_89 : i32 to vector<16xi32>
      %parallel_loop3A_93 = arith.minsi %parallel_loop3A_92, %parallel_loop3A_91 : vector<16xi32>
      %parallel_loop3A_94 = tpu.vector_load_idx %arg12[%parallel_loop3A_93] : memref<16xi32, #tpu.memory_space<vmem>>[vector<16xi32>], vector<16xi32>,
      %parallel_loop3A_95 = arith.addi %parallel_loop3A_35, %parallel_loop3A_94 : vector<16xi32>
      %parallel_loop3A_96 = arith.sitofp %parallel_loop3A_95 : vector<16xi32> to vector<16xf32>
      %parallel_loop3A_97 = arith.constant 16 : i32
      %parallel_loop3A_98 = arith.muli %parallel_loop3A_31, %parallel_loop3A_97 : i32
      %parallel_loop3A_99 = arith.index_cast %parallel_loop3A_98 : i32 to index
      %parallel_loop3A_100 = tpu.vector_load %arg8[%parallel_loop3A_99] {strides = array<i32>} : memref<2048xf32, #tpu.memory_space<vmem>>, vector<16xf32>,
      %parallel_loop3A_101 = arith.select %parallel_loop3A_84, %parallel_loop3A_96, %parallel_loop3A_100 : vector<16xi1>, vector<16xf32>
      %parallel_loop3A_102 = arith.constant 16 : i32
      %parallel_loop3A_103 = arith.muli %parallel_loop3A_31, %parallel_loop3A_102 : i32
      %parallel_loop3A_104 = arith.index_cast %parallel_loop3A_103 : i32 to index
      %parallel_loop3A_105 = tpu.vector_load %arg8[%parallel_loop3A_104] {strides = array<i32>} : memref<2048xf32, #tpu.memory_space<vmem>>, vector<16xf32>,
      tpu.vector_store %arg8[%parallel_loop3A_104], %parallel_loop3A_101 {strides = array<i32>} : memref<2048xf32, #tpu.memory_space<vmem>>, vector<16xf32>,
    } {sc.loop_unroll_factor = 8 : i64, sc.parallel_access}
    "tpu.region"() ({
      %run_scoped3A = tpu.sem_alloc : memref<!tpu.dma_semaphore, #tpu.memory_space<semaphore_mem>>
      %dma_start3A_31 = tpu.memref_slice %arg6[%mul3A_2] : memref<32768xf32, #tpu.memory_space<hbm>> -> memref<2048xf32, #tpu.memory_space<hbm>>
      %dma_start3A_32 = tpu.memref_slice %arg6[%mul3A_2] : memref<32768xf32, #tpu.memory_space<hbm>> -> memref<2048xf32, #tpu.memory_space<hbm>>
      tpu.enqueue_dma source(%arg8 : memref<2048xf32, #tpu.memory_space<vmem>>) target(%dma_start3A_32 : memref<2048xf32, #tpu.memory_space<hbm>>) target_semaphore(%run_scoped3A : memref<!tpu.dma_semaphore, #tpu.memory_space<semaphore_mem>>)
      %dma_wait3A_33 = tpu.memref_slice %arg6[%mul3A_2] : memref<32768xf32, #tpu.memory_space<hbm>> -> memref<2048xf32, #tpu.memory_space<hbm>>
      %dma_wait3A_34 = tpu.memref_slice %arg6[%mul3A_2] : memref<32768xf32, #tpu.memory_space<hbm>> -> memref<2048xf32, #tpu.memory_space<hbm>>
      tpu.wait_dma2 semaphore(%run_scoped3A : memref<!tpu.dma_semaphore, #tpu.memory_space<semaphore_mem>>) src(%arg8 : memref<2048xf32, #tpu.memory_space<vmem>>) dst(%dma_wait3A_34 : memref<2048xf32, #tpu.memory_space<hbm>>)
      tpu.yield
    }) : () -> ()
    return
  }
}

</mosaic_0001>

<sc_bundles>
// kernel: _run.3.cloned.1.call-start
scs
__scs_entry_jumppad:
0x0: {  	(pc) =	sbr.rel $0x88, $3  }
0x1: {  	(tag) =	ssettag $0x0;
	lr =	simm.s32 $0x1  }
0x2: {  	[smem:$0x3F9D] =	sst lr;
	_ =	strace $0xD0000000  }
0x3: {  	_ = 	snop  }
0x4: {  	_ = 	snop  }
0x5: {  	_ = 	snop  }
0x6: {  	_ = 	snop  }
0x7: {  	_ = 	snop  }
__scs_overlays_trampoline_lowered:
0x8: {  	[smem:$0x3FAC] =	sst s0  }
0x9: {  	[smem:$0x3FAD] =	sst s1  }
0xa: {  	[smem:$0x3FAE] =	sst s2  }
0xb: {  	[smem:$0x3FAF] =	sst s3  }
0xc: {  	[smem:$0x3FB0] =	sst s4  }
0xd: {  	[smem:$0x3FB1] =	sst s5  }
0xe: {  	[smem:$0x3FB2] =	sst s6  }
0xf: {  	[smem:$0x3FB3] =	sst s7  }
0x10: {  	[smem:$0x3FB4] =	sst s8  }
0x11: {  	[smem:$0x3FB5] =	sst s9;
	s0 =	simm.s32 @!p0 $0x0  }
0x12: {  	s1 =	sld [smem:$0x3F9B];
	s0 =	simm.s32 @p0 $0x1  }
0x13: {  	[smem:$0x3FB6] =	sst s0;
	s0 =	simm.s32 @!p1 $0x0  }
0x14: {  	s2 =	sld [smem:$0x3F9A];
	s0 =	simm.s32 @p1 $0x1  }
0x15: {  	[smem:$0x3FB7] =	sst s0;
	s0 =	simm.s32 @!p2 $0x0  }
0x16: {  	s3 =	sld [smem:$0x3FDB];
	s0 =	simm.s32 @p2 $0x1  }
0x17: {  	s4 =	simm.s32 $0x1BF5;
	[smem:$0x3FB9] =	sst s0  }
0x18: {  	s0 =	sld [smem:$0x3F9C];
	_ =	swait.ge [sflag:s4], $0x0  }
0x19: {  	s7 =	sld [smem:$0x3F9D]  }
0x1a: {  	s8 =	sadd.s32 $0xFFFFE003, lr  }
0x1b: {  	s9 =	sadd.s32 $0xFFFFFEF7, lr;
	s5 =	simm.s32 $0xFFFFFFFF;
	p2 =	slt.u32 s8, $0xFFFFF086  }
0x1c: {  	p1 =	slt.u32 s9, $0xF7A;
	s5 =	simm.s32 @!p2 $0x0  }
0x1d: {  	s5 =	simm.s32 @p1 $0x1;
	p0 =	seq.s32 s7, s2  }
0x1e: {  	s7 =	smul.u32 @!p0 $0xF7A, s2;
	p2 =	seq.s32 @!p0 s5, $0x0  }
0x1f: {  	s9 =	smul.u32 $0xF7A, s1;
	s8 =	simm.s32 @!p0 $0x1BF5;
	p2 =	por !p2, p0  }
0x20: {  	[sflag:s8] =	ssyncset.s32 @!p0 $0xFFFFF086;
	s6 =	sadd.s32 @!p0 s3, s7;
	s7 =	simm.s32 @!p0 $0x108  }
0x21: {  	s3 =	sadd.s32 s3, s9;
	s6 =	sadd.s32 @!p0 $0x88, s6;
	s7 =	simm.s32 @p2 $0x1082  }
0x22: {  	[simem:s7], [sflag:s8] =	dma.local @!p0 [hbm:s6], $0xF7A  }
0x23: {  	s9 =	sor.u32 $0xD0000000, s2;
	s6 =	simm.s32 $0x108;
	_ =	swait.ge @!p0 [sflag:s8], $0x0  }
0x24: {  	s3 =	sadd.s32 $0x88, s3;
	s6 =	simm.s32 @!p1 $0x1082;
	[sflag:s4] =	ssyncset.s32 $0xFFFFF086  }
0x25: {  	[simem:s6], [sflag:s4] =	dma.local [hbm:s3], $0xF7A  }
0x26: {  	[smem:$0x3F9D] =	sst s1;
	(tag) =	ssettag s2;
	_ =	strace s9  }
0x27: {  	s1 =	sld [smem:$0x3FAD]  }
0x28: {  	s2 =	sld [smem:$0x3FAE]  }
0x29: {  	s4 =	sld [smem:$0x3FB0]  }
0x2a: {  	p0 =	seq.s32 s5, $0x0;
	s5 =	sld [smem:$0x3FB1]  }
0x2b: {  	s6 =	sld [smem:$0x3FB2]  }
0x2c: {  	s7 =	sld [smem:$0x3FB3]  }
0x2d: {  	s3 =	simm.s32 $0x108;
	s8 =	sld [smem:$0x3FB4]  }
0x2e: {  	s3 =	simm.s32 @!p0 $0x1082;
	s9 =	sld [smem:$0x3FB5]  }
0x2f: {  	lr =	sadd.s32 s0, s3;
	s0 =	sld [smem:$0x3FAC]  }
0x30: {  	s3 =	sld [smem:$0x3FAF]  }
0x31: {  	[smem:$0x3FB8] =	sst s10  }
0x32: {  	s10 =	sld [smem:$0x3FB6];
	_ =	sdelay $0x3  }
0x33: {  	p0 =	seq.s32 s10, $0x1;
	s10 =	sld [smem:$0x3FB8];
	_ =	sdelay $0x3  }
0x34: {  	[smem:$0x3FB8] =	sst s10  }
0x35: {  	s10 =	sld [smem:$0x3FB7];
	_ =	sdelay $0x3  }
0x36: {  	p1 =	seq.s32 s10, $0x1;
	s10 =	sld [smem:$0x3FB8];
	_ =	sdelay $0x3  }
0x37: {  	[smem:$0x3FB8] =	sst s10  }
0x38: {  	s10 =	sld [smem:$0x3FB9]  }
0x39: {  	_ = 	snop;
	(pc) =	sbr.ind lr, $3  }
0x3a: {  	_ = 	snop  }
0x3b: {  	_ = 	snop  }
0x3c: {  	p2 =	seq.s32 s10, $0x1;
	s10 =	sld [smem:$0x3FB8]  }
0x3d: {  	_ =	shalt  }
0x3e: {  	_ =	shalt  }
0x3f: {  	_ =	shalt  }
0x40: {  	_ =	shalt  }
0x41: {  	_ =	shalt  }
0x42: {  	_ =	shalt  }
0x43: {  	_ =	shalt  }
0x44: {  	_ =	shalt  }
0x45: {  	_ =	shalt  }
0x46: {  	_ =	shalt  }
0x47: {  	_ =	shalt  }
0x48: {  	_ =	shalt  }
0x49: {  	_ =	shalt  }
0x4a: {  	_ =	shalt  }
0x4b: {  	_ =	shalt  }
0x4c: {  	_ =	shalt  }
0x4d: {  	_ =	shalt  }
0x4e: {  	_ =	shalt  }
0x4f: {  	_ =	shalt  }
0x50: {  	_ =	shalt  }
0x51: {  	_ =	shalt  }
0x52: {  	_ =	shalt  }
0x53: {  	_ =	shalt  }
0x54: {  	_ =	shalt  }
0x55: {  	_ =	shalt  }
0x56: {  	_ =	shalt  }
0x57: {  	_ =	shalt  }
0x58: {  	_ =	shalt  }
0x59: {  	_ =	shalt  }
0x5a: {  	_ =	shalt  }
0x5b: {  	_ =	shalt  }
0x5c: {  	_ =	shalt  }
0x5d: {  	_ =	shalt  }
0x5e: {  	_ =	shalt  }
0x5f: {  	_ =	shalt  }
0x60: {  	_ =	shalt  }
0x61: {  	_ =	shalt  }
0x62: {  	_ =	shalt  }
0x63: {  	_ =	shalt  }
0x64: {  	_ =	shalt  }
0x65: {  	_ =	shalt  }
0x66: {  	_ =	shalt  }
0x67: {  	_ =	shalt  }
0x68: {  	_ =	shalt  }
0x69: {  	_ =	shalt  }
0x6a: {  	_ =	shalt  }
0x6b: {  	_ =	shalt  }
0x6c: {  	_ =	shalt  }
0x6d: {  	_ =	shalt  }
0x6e: {  	_ =	shalt  }
0x6f: {  	_ =	shalt  }
0x70: {  	_ =	shalt  }
0x71: {  	_ =	shalt  }
0x72: {  	_ =	shalt  }
0x73: {  	_ =	shalt  }
0x74: {  	_ =	shalt  }
0x75: {  	_ =	shalt  }
0x76: {  	_ =	shalt  }
0x77: {  	_ =	shalt  }
0x78: {  	_ =	shalt  }
0x79: {  	_ =	shalt  }
0x7a: {  	_ =	shalt  }
0x7b: {  	_ =	shalt  }
0x7c: {  	_ =	shalt  }
0x7d: {  	_ =	shalt  }
0x7e: {  	_ =	shalt  }
0x7f: {  	_ =	shalt  }
0x80: {  	_ =	shalt  }
0x81: {  	_ =	shalt  }
0x82: {  	_ =	shalt  }
0x83: {  	_ =	shalt  }
0x84: {  	_ =	shalt  }
0x85: {  	_ =	shalt  }
0x86: {  	_ =	shalt  }
0x87: {  	_ =	shalt  }
.Lfunc_end0:
.L_simem_size_0:
called_computation_lowered:
.L_overlay_start_0:
0x88: {  	s0 =	sld [smem:$0x3FD9]  }
0x89: {  	s1 =	sld [smem:$0x3FFE];
	_ =	sdelay $0x3  }
0x8a: {  	s0 =	sadd.s32 s1, s0  }
0x8b: {  	[smem:$0x3FC4] =	sst s0  }
0x8c: {  	_ = 	snop  }
0x8d: {  	s0 =	sld [smem:$0x3FC9]  }
0x8e: {  	s14 =	sld [smem:$0x3FD0]  }
0x8f: {  	s2 =	sld [smem:$0x3FC8]  }
0x90: {  	s3 =	sld [smem:$0x3FC7]  }
0x91: {  	s5 =	simm.s32 $0xA;
	s6 =	simm.s32 $0x10;
	s4 =	sld [smem:$0x3FC6]  }
0x92: {  	[smem:s6], [sflag:s5] =	dma.local [hbm:s14], $0x1  }
0x93: {  	_ =	swait.eq [sflag:s5], $0x1  }
0x94: {  	[sflag:s5] =	ssyncset.done $0x0  }
0x95: {  	s15 =	sld [smem:$0x10];
	[sflag:s5] =	ssyncadd.s32 $0xFFFFFFFF  }
0x96: {  	s16 =	sld [smem:$0x11];
	(tm) =	ssettm $0x1  }
0x97: {  	s17 =	sld [smem:$0x3FFB];
	_ =	sdelay $0x3  }
0x98: {  	_ =	strace s17  }
0x99: {  	s6 =	sld [smem:$0x3FFC];
	_ =	sdelay $0x3  }
0x9a: {  	_ =	strace s6  }
0x9b: {  	s6 =	sld [smem:$0x3FFD];
	_ =	sdelay $0x3  }
0x9c: {  	_ =	strace s6  }
0x9d: {  	_ =	strace $0x8FFFFFFF  }
0x9e: {  	s18 =	sld [smem:$0x3FDB];
	_ =	sdelay $0x1  }
0x9f: {  	s7 =	simm.s32 $_scs_section_size  }
0xa0: {  	s8 =	simm.s32 $_size__tile_overlayer_lowered;
	s9 =	simm.s32 $_tile_overlayer_lowered  }
0xa1: {  	s21 =	simm.s32 $0x1BFF;
	s20 =	sshll.u32 s9, $0x1;
	s6 =	sadd.s32 s7, s18  }
0xa2: {  	s10 =	simm.s32 $0x0;
	s19 =	sshll.u32 s8, $0x1;
	s8 =	sadd.s32 s20, s6  }
0xa3: {  	[timem:s10], [sflag:s21] =	dma.local [hbm:s8], s19  }
0xa4: {  	_ =	swait.ge [sflag:s21], s19  }
0xa5: {  	s7 =	ssub.s32 $0x0, s19;
	[sflag:s21] =	ssyncset.done $0x0  }
0xa6: {  	[sflag:s21] =	ssyncadd.s32 s7;
	_ =	sdelay $0x1  }
0xa7: {  	s22 =	simm.s32 $0x1B8B  }
0xa8: {  	_ =	swait.ge [sflag:s22], $0x1  }
0xa9: {  	[sflag:s22] =	ssyncset.done $0x0  }
0xaa: {  	s23 =	simm.s32 $0x1B8E;
	[sflag:s22] =	ssyncadd.s32 $0xFFFFFFFF  }
0xab: {  	s24 =	simm.s32 $execute0_lowered;
	[smem:$0x3FD2] =	sst s23  }
0xac: {  	s7 =	sshll.u32 s24, $0x1;
	_ =	strace $0x80000046;
	[dreg:$0x1] =	wrdreg $0xFFFFFFFF  }
0xad: {  	s25 =	simm.s32 $_size_execute0_lowered;
	s6 =	sadd.s32 s6, s7;
	[dreg:$0x0] =	wrdreg $0x0  }
0xae: {  	s7 =	sshll.u32 s25, $0x1;
	[dreg:$0x2] =	wrdreg s6  }
0xaf: {  	[dreg:$0x3] =	wrdreg s7  }
0xb0: {  	[dreg:$0x4] =	wrdreg $0xC0  }
0xb1: {  	_ =	task [dreg:s10], $0x5FFFF  }
0xb2: {  	[dreg:$0x1] =	wrdreg $0xFFFFFFFF  }
0xb3: {  	[dreg:$0x0] =	wrdreg $0x60  }
0xb4: {  	[dreg:$0x2] =	wrdreg s0  }
0xb5: {  	[dreg:$0x3] =	wrdreg s2  }
0xb6: {  	[dreg:$0x4] =	wrdreg s3  }
0xb7: {  	[dreg:$0x5] =	wrdreg s4  }
0xb8: {  	[dreg:$0x6] =	wrdreg s15  }
0xb9: {  	[dreg:$0x7] =	wrdreg s16  }
0xba: {  	[dreg:$0x8] =	wrdreg $0x9  }
0xbb: {  	_ =	task.clear_ibuf [dreg:s10], $0x9FFFF;
	_ =	strace $0x90000046  }
0xbc: {  	s26 =	simm.s32 $0x9;
	_ =	strace $0x80000048  }
0xbd: {  	_ =	swait.ge [sflag:s26], $0x1  }
0xbe: {  	[sflag:s26] =	ssyncadd.s32 $0xFFFFFFFF  }
0xbf: {  	_ =	strace $0x90000048  }
0xc0: {  	_ =	sfence  }
0xc1: {  	s28 =	sld [smem:$0x0];
	_ =	sdelay $0x1  }
0xc2: {  	s29 =	srdreg.scid  }
0xc3: {  	s30 =	sshll.u32 s29, $0xD;
	s31 =	sshrl.u32 s29, $0x2  }
0xc4: {  	s1 =	sand.u32 $0x1, s29;
	s2 =	sand.u32 $0x4000, s30;
	s0 =	sadd.s32 s31, s28  }
0xc5: {  	s1 =	sor.u32 s2, s1;
	s0 =	sshll.u32 s0, $0x11  }
0xc6: {  	s0 =	sor.u32 s0, s1  }
0xc7: {  	s0 =	sadd.s32 $0x8F2B, s0  }
0xc8: {  	[sflag:s0] =	ssyncadd.remote.s32 $0x1  }
0xc9: {  	_ =	sfence.sel $0xFFFF  }
0xca: {  	[dreg:$0x0] =	wrdreg $0xFFFFFFFF;
	(pc) =	sbr.abs _section_cstart, $3  }
0xcb: {  	[dreg:$0x1] =	wrdreg $0xFFFFFFFF  }
0xcc: {  	_ =	task.clear_ibuf [dreg:s10], $0x2FFFF;
	_ =	strace $0x9FFFFFFF  }
0xcd: {  	(tm) =	ssettm $0x7FFFFFFF  }
tec
execute0_lowered:
.L_overlay_start_1:
0x0: {  	(tag) =	ssettag $0x1  }
0x1: {  	s2 =	rddreg [dreg:$0x0]  }
0x2: {  	s4 =	rddreg [dreg:$0x1]  }
0x3: {  	s6 =	rddreg [dreg:$0x2]  }
0x4: {  	s1 =	rddreg [dreg:$0x3]  }
0x5: {  	s3 =	rddreg [dreg:$0x4]  }
0x6: {  	s7 =	rddreg [dreg:$0x5];
	s8 =	simm.s32 $0x0;
	s9 =	stileid.u32  }
0x7: {  	v0 =	vimm.s32 $0x7FFFFFFF;
	[smem:$0x7FF] =	sst s8;
	s5 =	sshll.u32 s9, $0x8  }
0x8: {  	s0 =	rddreg [dreg:$0x6];
	_ =	strace $0x80000047;
	s1 =	sadd.s32 s1, s5;
	[tilespmem:$0x810] =	vst v0  }
0x9: {  	[tilespmem:s8], [sflag:$0x2] =	stream.linear.gather [hbm4b:s1+s8], $0x800, $0x38;
	[tilespmem:$0xA80] =	vst v63  }
0xa: {  	s1 =	simm.s32 $0x800  }
0xb: {  	[tilespmem:s1], [sflag:$0x1] =	stream.linear.gather [hbm4b:s4+s8], $0x11, $0x38;
	[tilespmem:$0xA80] =	vst v63  }
0xc: {  	s18 =	simm.s32 $0x880  }
0xd: {  	[tilespmem:s18], [sflag:$0x1] =	stream.linear.gather [hbm4b:s2+s8], $0x80, $0x38;
	[tilespmem:$0xA80] =	vst v63  }
0xe: {  	s19 =	simm.s32 $0x900;
	s20 =	simm.s32 $0x1  }
0xf: {  	[tilespmem:s19], [sflag:$0x1] =	stream.linear.gather [hbm4b:s6+s8], $0x80, $0x38;
	[tilespmem:$0xA80] =	vst v63  }
0x10: {  	_ =	swait.ge [sflag:s20], $0x11  }
0x11: {  	[sflag:s20] =	ssyncset.done $0x0  }
0x12: {  	[sflag:s20] =	ssyncadd.s32 $0xFFFFFFEF  }
0x13: {  	_ =	swait.ge [sflag:s20], $0x80  }
0x14: {  	[sflag:s20] =	ssyncset.done $0x0  }
0x15: {  	[sflag:s20] =	ssyncadd.s32 $0xFFFFFF80  }
0x16: {  	_ =	swait.ge [sflag:s20], $0x80  }
0x17: {  	[sflag:s20] =	ssyncset.done $0x0  }
0x18: {  	[sflag:s20] =	ssyncadd.s32 $0xFFFFFF80  }
0x19: {  	v0 =	vld [tilespmem:$0x880];
	_ =	sdelay $0x5  }
0x1a: {  	v1 =	vld [tilespmem:$0x800]  }
0x1b: {  	v2 =	vld [tilespmem:$0x801]  }
0x1c: {  	v0 =	vld.idx.msk [tilespmem:v0+s19+$0x0], $0xffff;
	_ =	sdelay $0x3  }
0x1d: {  	p0 =	sne.s32 s9, $0x0  }
0x1e: {  	v3 =	vsub.s32 v0, v1;
	v1 =	vsub.s32 @!p0 v2, v1  }
0x1f: {  	[tilespmem:$0x980] =	vst v3;
	v0 =	vadd.s32 @!p0 v0, v1  }
0x20: {  	[tilespmem:$0xA00] =	vst @!p0 v0;
	v0 =	vimm.s32 @!p0 $0x0  }
0x21: {  	[tilespmem:$0xA10] =	vst @!p0 v0  }
0x22: {  	[tilespmem:$0xA20] =	vst @!p0 v0  }
0x23: {  	s4 =	simm.s32 @!p0 $0xA00;
	s2 =	simm.s32 @!p0 $0x0;
	[tilespmem:$0xA30] =	vst @!p0 v0  }
0x24: {  	v0 =	vimm.s32 $0xF;
	[hbm4b:s7+s2] =	stream.linear.scatter @!p0 [tilespmem:s4], [sflag:$0x3], $0x80, $0x38;
	[tilespmem:$0xA80] =	vst v63  }
0x25: {  	s2 =	simm.s32 @!p0 $0x3  }
0x26: {  	_ =	swait.ge @!p0 [sflag:s2], $0x80  }
0x27: {  	[sflag:s2] =	ssyncset.done @!p0 $0x0  }
0x28: {  	[sflag:s2] =	ssyncadd.s32 @!p0 $0xFFFFFF80  }
0x29: {  	v5 =	vld.idx.msk [tilespmem:v0+s1+$0x0], $0xffff;
	_ =	sdelay $0x1  }
0x2a: {  	s21 =	sshll.u32 s9, $0xB;
	v0 =	vlaneseq.u32  }
0x2b: {  	s22 =	simm.s32 $0x60;
	v6 =	vor.u32 s21, v0  }
0x2c: {  	v13 =	vor.u32 s22, v6  }
0x2d: {  	v15 =	vimm.s32 $0x10;
	vm0 =	vgt.s32 v5, v13  }
0x2e: {  	s23 =	simm.s32 $0x70;
	v10 =	vsel vm0, $0x0, v15  }
0x2f: {  	s24 =	simm.s32 $0x10;
	s25 =	simm.s32 $0x20;
	s26 =	simm.s32 $0x0;
	v0 =	vor.u32 s23, v6;
	v11 =	vor.u32 $0x7, v10  }
0x30: {  	s28 =	simm.s32 $0x2;
	s29 =	simm.s32 $0x30;
	s30 =	simm.s32 $0x40;
	v2 =	vor.u32 s24, v6;
	v4 =	vor.u32 s25, v6;
	v1 =	vor.u32 s26, v6  }
0x31: {  	s31 =	simm.s32 $0x50;
	_ =	swait.ge [sflag:s28], $0x800;
	v9 =	vor.u32 s29, v6;
	v8 =	vor.u32 s30, v6;
	vm14 =	vgt.s32 v5, v1  }
0x32: {  	[sflag:s28] =	ssyncset.done $0x0;
	v3 =	vor.u32 s31, v6;
	vm1 =	vgt.s32 v5, v2;
	v12 =	vsel vm14, $0x0, v15  }
0x33: {  	[sflag:s28] =	ssyncadd.s32 $0xFFFFF800;
	vm15 =	vgt.s32 v5, v4;
	v14 =	vsel vm1, $0x0, v15;
	v7 =	vor.u32 $0x7, v12  }
0x34: {  	vm4 =	vgt.s32 v5, v9;
	v16 =	vsel vm15, $0x0, v15;
	v17 =	vor.u32 $0x7, v14;
	v11 =	vld.idx.msk [tilespmem:v11+s1+$0x0], $0xffff  }
0x35: {  	vm5 =	vgt.s32 v5, v8;
	v18 =	vsel vm4, $0x0, v15;
	v19 =	vor.u32 $0x7, v16  }
0x36: {  	vm6 =	vgt.s32 v5, v3;
	v20 =	vsel vm5, $0x0, v15;
	v21 =	vor.u32 $0x7, v18  }
0x37: {  	vm7 =	vgt.s32 v5, v0;
	v22 =	vsel vm6, $0x0, v15;
	v23 =	vor.u32 $0x7, v20  }
0x38: {  	v24 =	vsel vm7, $0x0, v15;
	v25 =	vor.u32 $0x7, v22;
	v7 =	vld.idx.msk [tilespmem:v7+s1+$0x0], $0xffff  }
0x39: {  	v26 =	vor.u32 $0x7, v24;
	v27 =	vor.u32 $0x8, v10;
	v17 =	vld.idx.msk [tilespmem:v17+s1+$0x0], $0xffff;
	vm8 =	vgt.s32 v11, v13  }
0x3a: {  	v11 =	vld.idx.msk [tilespmem:v19+s1+$0x0], $0xffff;
	v10 =	vsel vm8, v10, v27  }
0x3b: {  	v28 =	vor.u32 $0x8, v14;
	v21 =	vld.idx.msk [tilespmem:v21+s1+$0x0], $0xffff;
	v27 =	vor.u32 $0x3, v10  }
0x3c: {  	v29 =	vor.u32 $0x8, v16;
	v30 =	vor.u32 $0x8, v18;
	v31 =	vor.u32 $0x8, v20;
	v23 =	vld.idx.msk [tilespmem:v23+s1+$0x0], $0xffff  }
0x3d: {  	v32 =	vor.u32 $0x8, v22;
	v25 =	vld.idx.msk [tilespmem:v25+s1+$0x0], $0xffff;
	v19 =	vor.u32 $0x8, v12;
	vm9 =	vgt.s32 v7, v1  }
0x3e: {  	v26 =	vld.idx.msk [tilespmem:v26+s1+$0x0], $0xffff;
	v7 =	vor.u32 $0x8, v24;
	vm10 =	vgt.s32 v17, v2;
	v12 =	vsel vm9, v12, v19  }
0x3f: {  	v14 =	vsel vm10, v14, v28;
	v17 =	vor.u32 $0x3, v12;
	vm11 =	vgt.s32 v11, v4  }
0x40: {  	vm12 =	vgt.s32 v21, v9;
	v19 =	vor.u32 $0x3, v14;
	v16 =	vsel vm11, v16, v29;
	v11 =	vld.idx.msk [tilespmem:v27+s1+$0x0], $0xffff  }
0x41: {  	vm13 =	vgt.s32 v23, v8;
	v18 =	vsel vm12, v18, v30;
	v21 =	vor.u32 $0x3, v16  }
0x42: {  	vm14 =	vgt.s32 v25, v3;
	v20 =	vsel vm13, v20, v31;
	v23 =	vor.u32 $0x3, v18  }
0x43: {  	vm15 =	vgt.s32 v26, v0;
	v22 =	vsel vm14, v22, v32;
	v25 =	vor.u32 $0x3, v20  }
0x44: {  	v7 =	vsel vm15, v24, v7;
	v26 =	vor.u32 $0x3, v22;
	v17 =	vld.idx.msk [tilespmem:v17+s1+$0x0], $0xffff  }
0x45: {  	v24 =	vor.u32 $0x4, v10;
	v19 =	vld.idx.msk [tilespmem:v19+s1+$0x0], $0xffff;
	vm4 =	vgt.s32 v11, v13;
	v11 =	vor.u32 $0x3, v7  }
0x46: {  	v21 =	vld.idx.msk [tilespmem:v21+s1+$0x0], $0xffff;
	v10 =	vsel vm4, v10, v24  }
0x47: {  	v28 =	vor.u32 $0x4, v14;
	v23 =	vld.idx.msk [tilespmem:v23+s1+$0x0], $0xffff;
	v27 =	vor.u32 $0x1, v10  }
0x48: {  	v30 =	vor.u32 $0x4, v18;
	v31 =	vor.u32 $0x4, v20;
	v32 =	vor.u32 $0x4, v22;
	v25 =	vld.idx.msk [tilespmem:v25+s1+$0x0], $0xffff  }
0x49: {  	v29 =	vor.u32 $0x4, v16;
	v26 =	vld.idx.msk [tilespmem:v26+s1+$0x0], $0xffff;
	vm5 =	vgt.s32 v17, v1;
	v24 =	vor.u32 $0x4, v12  }
0x4a: {  	v17 =	vor.u32 $0x4, v7;
	vm6 =	vgt.s32 v19, v2;
	v12 =	vsel vm5, v12, v24;
	v11 =	vld.idx.msk [tilespmem:v11+s1+$0x0], $0xffff  }
0x4b: {  	v14 =	vsel vm6, v14, v28;
	v19 =	vor.u32 $0x1, v12;
	vm7 =	vgt.s32 v21, v4  }
0x4c: {  	vm8 =	vgt.s32 v23, v9;
	v24 =	vor.u32 $0x1, v14;
	v16 =	vsel vm7, v16, v29;
	v21 =	vld.idx.msk [tilespmem:v27+s1+$0x0], $0xffff  }
0x4d: {  	vm9 =	vgt.s32 v25, v8;
	v18 =	vsel vm8, v18, v30;
	v23 =	vor.u32 $0x1, v16  }
0x4e: {  	vm10 =	vgt.s32 v26, v3;
	v20 =	vsel vm9, v20, v31;
	v25 =	vor.u32 $0x1, v18  }
0x4f: {  	v22 =	vsel vm10, v22, v32;
	v26 =	vor.u32 $0x1, v20;
	vm11 =	vgt.s32 v11, v0  }
0x50: {  	v11 =	vld.idx.msk [tilespmem:v19+s1+$0x0], $0xffff;
	v19 =	vor.u32 $0x1, v22;
	v7 =	vsel vm11, v7, v17  }
0x51: {  	v17 =	vld.idx.msk [tilespmem:v24+s1+$0x0], $0xffff;
	v24 =	vor.u32 $0x2, v10;
	vm12 =	vgt.s32 v21, v13;
	v21 =	vor.u32 $0x1, v7  }
0x52: {  	v23 =	vld.idx.msk [tilespmem:v23+s1+$0x0], $0xffff;
	v24 =	vsel vm12, v10, v24  }
0x53: {  	v10 =	vld.idx.msk [tilespmem:v25+s1+$0x0], $0xffff  }
0x54: {  	v25 =	vld.idx.msk [tilespmem:v26+s1+$0x0], $0xffff  }
0x55: {  	v26 =	vor.u32 $0x2, v12;
	v19 =	vld.idx.msk [tilespmem:v19+s1+$0x0], $0xffff;
	vm13 =	vgt.s32 v11, v1  }
0x56: {  	v11 =	vor.u32 $0x2, v14;
	v12 =	vsel vm13, v12, v26;
	vm14 =	vgt.s32 v17, v2;
	v21 =	vld.idx.msk [tilespmem:v21+s1+$0x0], $0xffff  }
0x57: {  	v17 =	vor.u32 $0x2, v16;
	v11 =	vsel vm14, v14, v11;
	vm15 =	vgt.s32 v23, v4;
	v26 =	vld.idx.msk [tilespmem:v24+s1+$0x0], $0xffff  }
0x58: {  	v14 =	vor.u32 $0x2, v18;
	v16 =	vsel vm15, v16, v17;
	vm4 =	vgt.s32 v10, v9  }
0x59: {  	v10 =	vor.u32 $0x2, v20;
	vm5 =	vgt.s32 v25, v8;
	v14 =	vsel vm4, v18, v14  }
0x5a: {  	v17 =	vor.u32 $0x2, v22;
	v18 =	vsel vm5, v20, v10;
	vm6 =	vgt.s32 v19, v3  }
0x5b: {  	v10 =	vimm.s32 $0x0;
	v20 =	vld.idx.msk [tilespmem:v12+s1+$0x0], $0xffff;
	v17 =	vsel vm6, v22, v17  }
0x5c: {  	v19 =	vor.u32 $0x2, v7;
	vm7 =	vgt.s32 v21, v0;
	v21 =	vld.idx.msk [tilespmem:v11+s1+$0x0], $0xffff;
	vm8 =	vle.s32 v26, v13  }
0x5d: {  	v7 =	vsel vm7, v7, v19;
	v19 =	vld.idx.msk [tilespmem:v16+s1+$0x0], $0xffff;
	v22 =	vsel vm8, $0x1, v10  }
0x5e: {  	v25 =	vld.idx.msk [tilespmem:v14+s1+$0x0], $0xffff;
	v23 =	vadd.s32 v22, v24  }
0x5f: {  	v26 =	vld.idx.msk [tilespmem:v18+s1+$0x0], $0xffff;
	v22 =	vmax.u32 v23, $0x1  }
0x60: {  	v27 =	vld.idx.msk [tilespmem:v17+s1+$0x0], $0xffff;
	vm9 =	vle.s32 v20, v1;
	v22 =	vmin.u32 v22, $0x10  }
0x61: {  	vm10 =	vle.s32 v21, v2;
	v20 =	vadd.s32 $0xFFFFFFFF, v22;
	v22 =	vsel vm9, $0x1, v10  }
0x62: {  	v28 =	vld.idx.msk [tilespmem:v7+s1+$0x0], $0xffff;
	vm11 =	vle.s32 v19, v4;
	v21 =	vadd.s32 v22, v12;
	v12 =	vsel vm10, $0x1, v10  }
0x63: {  	vm12 =	vle.s32 v25, v9;
	v22 =	vadd.s32 v12, v11;
	v11 =	vsel vm11, $0x1, v10  }
0x64: {  	vm13 =	vle.s32 v26, v8;
	v12 =	vmax.u32 v21, $0x1;
	v24 =	vadd.s32 v11, v16  }
0x65: {  	s4 =	simm.s32 $0x980;
	v11 =	vsel vm12, $0x1, v10;
	vm14 =	vle.s32 v27, v3;
	v35 =	vmin.u32 v12, $0x10  }
0x66: {  	v25 =	vadd.s32 v11, v14;
	v11 =	vsel vm13, $0x1, v10;
	v19 =	vmax.u32 v24, $0x1;
	v16 =	vld.idx.msk [tilespmem:v20+s4+$0x0], $0xffff  }
0x67: {  	v26 =	vadd.s32 v11, v18;
	v11 =	vsel vm14, $0x1, v10;
	vm15 =	vle.s32 v28, v0  }
0x68: {  	s2 =	simm.s32 $0x40;
	v39 =	vmin.u32 v19, $0x10;
	v27 =	vadd.s32 v11, v17;
	v11 =	vsel vm15, $0x1, v10  }
0x69: {  	v12 =	vld [tilespmem:s2+$0xFFFFFFD0];
	v17 =	vmax.u32 v22, $0x1;
	v33 =	vmax.u32 v26, $0x1;
	v14 =	vadd.s32 v11, v7  }
0x6a: {  	v18 =	vld [tilespmem:s2+$0x20];
	v7 =	vmax.u32 v25, $0x1;
	v32 =	vmax.u32 v27, $0x1;
	v36 =	vmin.u32 v17, $0x10  }
0x6b: {  	s3 =	sadd.s32 s3, s5;
	s5 =	simm.s32 $0x0;
	s6 =	simm.s32 $0xF0;
	v11 =	vld [tilespmem:s2+$0xFFFFFFC0];
	v37 =	vmax.u32 v14, $0x1;
	v38 =	vmin.u32 v7, $0x10;
	v13 =	vadd.s32 v13, v16  }
.LBB2_1:
0x6c: {  	v20 =	vor.u32 s6, v6  }
0x6d: {  	v17 =	vadd.s32 $0xFFFFFFFF, v23;
	v19 =	vcvt.s32.f32 v13;
	v33 =	vmin.u32 v33, $0x10  }
0x6e: {  	v32 =	vmin.u32 v32, $0x10;
	v37 =	vmin.u32 v37, $0x10;
	v35 =	vadd.s32 $0xFFFFFFFF, v35  }
0x6f: {  	s7 =	sadd.s32 $0xFFFFFFA0, s6;
	s8 =	sadd.s32 $0xFFFFFFF0, s6;
	v36 =	vadd.s32 $0xFFFFFFFF, v36;
	v39 =	vadd.s32 $0xFFFFFFFF, v39;
	v38 =	vadd.s32 $0xFFFFFFFF, v38  }
0x70: {  	s29 =	sadd.s32 $0xFFFFFFB0, s6;
	s30 =	sadd.s32 $0xFFFFFF90, s6;
	v24 =	vadd.s32 $0xFFFFFFFF, v24;
	v28 =	vor.u32 s7, v6;
	v13 =	vor.u32 s8, v6  }
0x71: {  	s9 =	sadd.s32 $0xFFFFFFC0, s6;
	s31 =	sadd.s32 $0xFFFFFFD0, s6;
	vm0 =	vlt.u32 v17, $0x10;
	v29 =	vor.u32 s29, v6;
	v34 =	vor.u32 s30, v6  }
0x72: {  	s10 =	sadd.s32 $0xFFFFFFE0, s6;
	v31 =	vor.u32 s9, v6;
	v30 =	vor.u32 s31, v6;
	vm1 =	vgt.s32 v5, v13  }
0x73: {  	v23 =	vor.u32 s10, v6;
	vm11 =	vgt.s32 v5, v20;
	v40 =	vsel vm1, $0x0, v15  }
0x74: {  	v37 =	vadd.s32 $0xFFFFFFFF, v37;
	vm9 =	vgt.s32 v5, v34;
	v41 =	vor.u32 $0x7, v40  }
0x75: {  	vm10 =	vgt.s32 v5, v28;
	vm2 =	vgt.s32 v5, v29;
	v42 =	vsel vm9, $0x0, v15  }
0x76: {  	vm3 =	vgt.s32 v5, v31;
	v43 =	vsel vm10, $0x0, v15;
	v47 =	vor.u32 $0x7, v42  }
0x77: {  	v7 =	vld [tilespmem:s2+$0xFFFFFFE0];
	vm4 =	vgt.s32 v5, v30;
	v19 =	vsel vm0, v19, v18;
	v50 =	vor.u32 $0x7, v43  }
0x78: {  	vm5 =	vgt.s32 v5, v23;
	v49 =	vsel vm11, $0x0, v15;
	v44 =	vsel vm2, $0x0, v15;
	[tilespmem:s2+$0x20] =	vst v19;
	v35 =	vld.idx.msk [tilespmem:v35+s4+$0x0], $0xffff  }
0x79: {  	v45 =	vsel vm3, $0x0, v15;
	v46 =	vsel vm4, $0x0, v15;
	v51 =	vor.u32 $0x7, v44;
	v41 =	vld.idx.msk [tilespmem:v41+s1+$0x0], $0xffff  }
0x7a: {  	v48 =	vsel vm5, $0x0, v15;
	v55 =	vor.u32 $0x7, v49;
	v52 =	vor.u32 $0x7, v45;
	v36 =	vld.idx.msk [tilespmem:v36+s4+$0x0], $0xffff  }
0x7b: {  	v62 =	vor.u32 $0x8, v49;
	v53 =	vor.u32 $0x7, v46;
	v54 =	vor.u32 $0x7, v48;
	v47 =	vld.idx.msk [tilespmem:v47+s1+$0x0], $0xffff  }
0x7c: {  	v56 =	vor.u32 $0x8, v42;
	v57 =	vor.u32 $0x8, v43;
	v58 =	vor.u32 $0x8, v44;
	v50 =	vld.idx.msk [tilespmem:v50+s1+$0x0], $0xffff  }
0x7d: {  	v59 =	vor.u32 $0x8, v45;
	v60 =	vor.u32 $0x8, v46;
	v61 =	vor.u32 $0x8, v48  }
0x7e: {  	v63 =	vor.u32 $0x8, v40;
	[tilespmem:$0x1FFF0] =	vst v7;
	v7 =	vadd.s32 $0xFFFFFFFF, v32;
	vm12 =	vgt.s32 v41, v13;
	v41 =	vld.idx.msk [tilespmem:v51+s1+$0x0], $0xffff  }
0x7f: {  	v32 =	vadd.s32 $0xFFFFFFFF, v22;
	v22 =	vadd.s32 $0xFFFFFFFF, v27;
	v35 =	vadd.s32 v1, v35;
	v51 =	vld.idx.msk [tilespmem:v52+s1+$0x0], $0xffff  }
0x80: {  	v53 =	vld.idx.msk [tilespmem:v53+s1+$0x0], $0xffff;
	v36 =	vadd.s32 v2, v36;
	vm13 =	vgt.s32 v47, v34;
	v40 =	vsel vm12, v40, v63  }
0x81: {  	v54 =	vld.idx.msk [tilespmem:v54+s1+$0x0], $0xffff;
	vm14 =	vgt.s32 v50, v28;
	v63 =	vadd.s32 $0xFFFFFFFF, v33;
	v52 =	vor.u32 $0x3, v40  }
0x82: {  	v47 =	vld.idx.msk [tilespmem:v55+s1+$0x0], $0xffff;
	v33 =	vadd.s32 $0xFFFFFFFF, v21;
	v21 =	vadd.s32 $0xFFFFFFFF, v26;
	v26 =	vsel vm13, v42, v56  }
0x83: {  	v39 =	vld.idx.msk [tilespmem:v39+s4+$0x0], $0xffff;
	v42 =	vsel vm14, v43, v57;
	v27 =	vor.u32 $0x3, v26;
	vm15 =	vgt.s32 v41, v29  }
0x84: {  	v38 =	vld.idx.msk [tilespmem:v38+s4+$0x0], $0xffff;
	v43 =	vor.u32 $0x3, v42;
	vm4 =	vgt.s32 v51, v31;
	v44 =	vsel vm15, v44, v58  }
0x85: {  	vm5 =	vgt.s32 v53, v30;
	v45 =	vsel vm4, v45, v59;
	v50 =	vor.u32 $0x3, v44  }
0x86: {  	vm6 =	vgt.s32 v54, v23;
	v46 =	vsel vm5, v46, v60;
	v57 =	vld.idx.msk [tilespmem:v52+s1+$0x0], $0xffff;
	v51 =	vor.u32 $0x3, v45  }
0x87: {  	v48 =	vsel vm6, v48, v61;
	v60 =	vor.u32 $0x3, v46;
	vm7 =	vgt.s32 v47, v20;
	v47 =	vld.idx.msk [tilespmem:v63+s4+$0x0], $0xffff  }
0x88: {  	v39 =	vadd.s32 v4, v39;
	v54 =	vor.u32 $0x3, v48;
	v49 =	vsel vm7, v49, v62;
	v27 =	vld.idx.msk [tilespmem:v27+s1+$0x0], $0xffff  }
0x89: {  	v38 =	vadd.s32 v9, v38;
	v2 =	vmovc v28;
	v28 =	vcvt.s32.f32 v36;
	v43 =	vld.idx.msk [tilespmem:v43+s1+$0x0], $0xffff;
	v41 =	vor.u32 $0x3, v49  }
0x8a: {  	v53 =	vor.u32 $0x4, v26;
	v56 =	vor.u32 $0x4, v42;
	v62 =	vor.u32 $0x4, v40;
	v50 =	vld.idx.msk [tilespmem:v50+s1+$0x0], $0xffff  }
0x8b: {  	v58 =	vor.u32 $0x4, v46;
	v55 =	vor.u32 $0x4, v45;
	vm8 =	vgt.s32 v57, v13;
	v51 =	vld.idx.msk [tilespmem:v51+s1+$0x0], $0xffff  }
0x8c: {  	v1 =	vmovc v34;
	v52 =	vld.idx.msk [tilespmem:v60+s1+$0x0], $0xffff;
	v60 =	vor.u32 $0x4, v48;
	v61 =	vor.u32 $0x4, v49;
	v40 =	vsel vm8, v40, v62  }
0x8d: {  	v4 =	vmovc v29;
	v63 =	vld.idx.msk [tilespmem:v54+s1+$0x0], $0xffff;
	v57 =	vor.u32 $0x4, v44;
	vm9 =	vgt.s32 v27, v1;
	v59 =	vor.u32 $0x1, v40  }
0x8e: {  	v27 =	vld.idx.msk [tilespmem:v41+s1+$0x0], $0xffff;
	v41 =	vadd.s32 v8, v47;
	vm10 =	vgt.s32 v43, v2;
	v26 =	vsel vm9, v26, v53  }
0x8f: {  	v16 =	vld [tilespmem:s2+$0xFFFFFFF0];
	v9 =	vmovc v31;
	v36 =	vsel vm10, v42, v56;
	v29 =	vor.u32 $0x1, v26;
	vm11 =	vgt.s32 v50, v4  }
0x90: {  	v37 =	vld.idx.msk [tilespmem:v37+s4+$0x0], $0xffff;
	v8 =	vmovc v30;
	v56 =	vor.u32 $0x1, v36;
	vm12 =	vgt.s32 v51, v9;
	v43 =	vsel vm11, v44, v57  }
0x91: {  	v7 =	vld.idx.msk [tilespmem:v7+s4+$0x0], $0xffff;
	vm13 =	vgt.s32 v52, v8;
	v44 =	vsel vm12, v45, v55;
	v57 =	vor.u32 $0x1, v43  }
0x92: {  	vm14 =	vgt.s32 v63, v23;
	v46 =	vsel vm13, v46, v58;
	v54 =	vld.idx.msk [tilespmem:v59+s1+$0x0], $0xffff;
	v45 =	vor.u32 $0x1, v44  }
0x93: {  	v17 =	vld [tilespmem:s2+$0x0];
	v47 =	vsel vm14, v48, v60;
	v34 =	vor.u32 $0x1, v46;
	vm15 =	vgt.s32 v27, v20  }
0x94: {  	v25 =	vadd.s32 $0xFFFFFFFF, v25;
	v48 =	vor.u32 $0x1, v47;
	v49 =	vsel vm15, v49, v61;
	v29 =	vld.idx.msk [tilespmem:v29+s1+$0x0], $0xffff  }
0x95: {  	v14 =	vadd.s32 $0xFFFFFFFF, v14;
	v35 =	vcvt.s32.f32 v35;
	v31 =	vld.idx.msk [tilespmem:v56+s1+$0x0], $0xffff;
	v59 =	vor.u32 $0x1, v49  }
0x96: {  	v37 =	vadd.s32 v0, v37;
	v39 =	vcvt.s32.f32 v39;
	v38 =	vcvt.s32.f32 v38;
	v30 =	vld.idx.msk [tilespmem:v57+s1+$0x0], $0xffff  }
0x97: {  	v7 =	vadd.s32 v3, v7;
	v58 =	vor.u32 $0x2, v40;
	vm4 =	vgt.s32 v54, v13;
	v45 =	vld.idx.msk [tilespmem:v45+s1+$0x0], $0xffff  }
0x98: {  	v7 =	vcvt.s32.f32 v7;
	vm1 =	vlt.u32 v33, $0x10;
	v34 =	vld.idx.msk [tilespmem:v34+s1+$0x0], $0xffff;
	v40 =	vsel vm4, v40, v58  }
0x99: {  	v0 =	vmovc v20;
	v60 =	vor.u32 $0x2, v36;
	v27 =	vor.u32 $0x2, v26;
	v20 =	vld.idx.msk [tilespmem:v48+s1+$0x0], $0xffff;
	vm5 =	vgt.s32 v29, v1  }
0x9a: {  	v3 =	vmovc v23;
	v63 =	vor.u32 $0x2, v46;
	v23 =	vld.idx.msk [tilespmem:v59+s1+$0x0], $0xffff;
	vm6 =	vgt.s32 v31, v2;
	v26 =	vsel vm5, v26, v27  }
0x9b: {  	v18 =	vld [tilespmem:s2+$0x10];
	v61 =	vor.u32 $0x2, v43;
	v36 =	vsel vm6, v36, v60;
	vm7 =	vgt.s32 v30, v4  }
0x9c: {  	v19 =	vld [tilespmem:s2+$0x30];
	v62 =	vor.u32 $0x2, v44;
	vm8 =	vgt.s32 v45, v9;
	v30 =	vsel vm7, v43, v61  }
0x9d: {  	vm11 =	vlt.u32 v24, $0x10;
	vm10 =	vgt.s32 v34, v8;
	v27 =	vld.idx.msk [tilespmem:v40+s1+$0x0], $0xffff;
	v60 =	vsel vm8, v44, v62  }
0x9e: {  	v24 =	vld [tilespmem:$0x1FFF0];
	v57 =	vor.u32 $0x2, v47;
	vm12 =	vgt.s32 v20, v3;
	v61 =	vsel vm10, v46, v63  }
0x9f: {  	v58 =	vor.u32 $0x2, v49;
	vm14 =	vgt.s32 v23, v0;
	v20 =	vld.idx.msk [tilespmem:v26+s1+$0x0], $0xffff;
	v62 =	vsel vm12, v47, v57  }
0xa0: {  	v11 =	vsel vm1, v35, v11;
	vm15 =	vlt.u32 v21, $0x10;
	v21 =	vld.idx.msk [tilespmem:v36+s1+$0x0], $0xffff;
	v63 =	vsel vm14, v49, v58  }
0xa1: {  	vm9 =	vlt.u32 v32, $0x10;
	vm13 =	vlt.u32 v25, $0x10;
	vm7 =	vlt.u32 v22, $0x10;
	v22 =	vld.idx.msk [tilespmem:v30+s1+$0x0], $0xffff  }
0xa2: {  	v29 =	vcvt.s32.f32 v41;
	vm8 =	vlt.u32 v14, $0x10;
	vm6 =	vle.s32 v27, v13;
	v14 =	vld.idx.msk [tilespmem:v60+s1+$0x0], $0xffff  }
0xa3: {  	v12 =	vsel vm9, v28, v12;
	v59 =	vcvt.s32.f32 v37;
	[tilespmem:s2+$0xFFFFFFC0] =	vst v11;
	v25 =	vld.idx.msk [tilespmem:v61+s1+$0x0], $0xffff;
	v23 =	vsel vm6, $0x1, v10  }
0xa4: {  	v11 =	vsel vm13, v38, v16;
	v16 =	vsel vm15, v29, v17;
	v17 =	vld.idx.msk [tilespmem:v62+s1+$0x0], $0xffff;
	v23 =	vadd.s32 v23, v40  }
0xa5: {  	v24 =	vsel vm11, v39, v24;
	[tilespmem:s2+$0xFFFFFFD0] =	vst v12;
	v12 =	vsel vm8, v59, v19;
	v19 =	vld.idx.msk [tilespmem:v63+s1+$0x0], $0xffff;
	v27 =	vmax.u32 v23, $0x1  }
0xa6: {  	v7 =	vsel vm7, v7, v18;
	vm9 =	vle.s32 v20, v1;
	v27 =	vmin.u32 v27, $0x10  }
0xa7: {  	vm10 =	vle.s32 v21, v2;
	v20 =	vsel vm9, $0x1, v10;
	v18 =	vadd.s32 $0xFFFFFFFF, v27  }
0xa8: {  	[tilespmem:s2+$0xFFFFFFF0] =	vst v11;
	v11 =	vsel vm10, $0x1, v10;
	v21 =	vadd.s32 v20, v26;
	vm11 =	vle.s32 v22, v4  }
0xa9: {  	[tilespmem:s2+$0xFFFFFFE0] =	vst v24;
	v22 =	vadd.s32 v11, v36;
	vm12 =	vle.s32 v14, v9;
	vm13 =	vle.s32 v25, v8  }
0xaa: {  	[tilespmem:s2+$0x10] =	vst v7;
	vm14 =	vle.s32 v17, v3;
	vm15 =	vle.s32 v19, v0;
	v11 =	vsel vm11, $0x1, v10  }
0xab: {  	s5 =	sadd.s32 $0x8, s5;
	[tilespmem:s2+$0x30] =	vst v12;
	v7 =	vsel vm12, $0x1, v10;
	v12 =	vmax.u32 v22, $0x1;
	v24 =	vadd.s32 v11, v30  }
0xac: {  	p1 =	slt.u32 s5, $0x78;
	[tilespmem:s2+$0x0] =	vst v16;
	v25 =	vadd.s32 v7, v60;
	v7 =	vsel vm13, $0x1, v10;
	v11 =	vmax.u32 v21, $0x1;
	v16 =	vld.idx.msk [tilespmem:v18+s4+$0x0], $0xffff  }
.Ltmp0:
0xad: {  	v36 =	vmin.u32 v12, $0x10;
	v26 =	vadd.s32 v7, v61;
	v7 =	vsel vm14, $0x1, v10;
	(pc) =	sbr.rel @p1 .LBB2_1-.Ltmp0, $4  }
0xae: {  	s2 =	sadd.s32 $0x80, s2;
	v17 =	vmax.u32 v24, $0x1;
	v35 =	vmin.u32 v11, $0x10;
	v27 =	vadd.s32 v7, v62  }
0xaf: {  	v12 =	vld [tilespmem:s2+$0xFFFFFFD0];
	v7 =	vsel vm15, $0x1, v10;
	v33 =	vmax.u32 v26, $0x1;
	v39 =	vmin.u32 v17, $0x10  }
0xb0: {  	v11 =	vld [tilespmem:s2+$0xFFFFFFC0];
	v14 =	vadd.s32 v7, v63;
	v7 =	vmax.u32 v25, $0x1;
	v32 =	vmax.u32 v27, $0x1  }
0xb1: {  	s6 =	sadd.s32 $0x80, s6;
	v18 =	vld [tilespmem:s2+$0x20];
	v37 =	vmax.u32 v14, $0x1;
	v38 =	vmin.u32 v7, $0x10;
	v13 =	vadd.s32 v13, v16  }
0xb2: {  	v5 =	vadd.s32 $0xFFFFFFFF, v35  }
0xb3: {  	v6 =	vadd.s32 $0xFFFFFFFF, v36  }
0xb4: {  	v7 =	vadd.s32 $0xFFFFFFFF, v39  }
0xb5: {  	v10 =	vmin.u32 v33, $0x10;
	v15 =	vadd.s32 $0xFFFFFFFF, v38;
	v54 =	vld [tilespmem:s2+$0xFFFFFFE0]  }
0xb6: {  	v16 =	vmin.u32 v32, $0x10;
	v56 =	vld [tilespmem:s2+$0xFFFFFFF0];
	v10 =	vadd.s32 $0xFFFFFFFF, v10  }
0xb7: {  	v17 =	vmin.u32 v37, $0x10;
	v19 =	vadd.s32 $0xFFFFFFFF, v23;
	v16 =	vadd.s32 $0xFFFFFFFF, v16;
	v5 =	vld.idx.msk [tilespmem:v5+s4+$0x0], $0xffff  }
0xb8: {  	v13 =	vcvt.s32.f32 v13;
	v49 =	vadd.s32 $0xFFFFFFFF, v21;
	v17 =	vadd.s32 $0xFFFFFFFF, v17;
	v6 =	vld.idx.msk [tilespmem:v6+s4+$0x0], $0xffff  }
0xb9: {  	v50 =	vadd.s32 $0xFFFFFFFF, v22;
	v20 =	vadd.s32 $0xFFFFFFFF, v24;
	v51 =	vadd.s32 $0xFFFFFFFF, v25;
	v7 =	vld.idx.msk [tilespmem:v7+s4+$0x0], $0xffff  }
0xba: {  	v52 =	vadd.s32 $0xFFFFFFFF, v26;
	v53 =	vadd.s32 $0xFFFFFFFF, v27;
	v60 =	vadd.s32 $0xFFFFFFFF, v14;
	v15 =	vld.idx.msk [tilespmem:v15+s4+$0x0], $0xffff  }
0xbb: {  	vm0 =	vlt.u32 v19, $0x10;
	vm10 =	vlt.u32 v49, $0x10;
	vm1 =	vlt.u32 v50, $0x10;
	v10 =	vld.idx.msk [tilespmem:v10+s4+$0x0], $0xffff  }
0xbc: {  	vm11 =	vlt.u32 v20, $0x10;
	vm12 =	vlt.u32 v51, $0x10;
	v16 =	vld.idx.msk [tilespmem:v16+s4+$0x0], $0xffff;
	v1 =	vadd.s32 v1, v5  }
0xbd: {  	vm13 =	vlt.u32 v52, $0x10;
	v17 =	vld.idx.msk [tilespmem:v17+s4+$0x0], $0xffff;
	v2 =	vadd.s32 v2, v6;
	v1 =	vcvt.s32.f32 v1  }
0xbe: {  	v57 =	vld [tilespmem:s2+$0x0];
	v13 =	vsel vm0, v13, v18;
	v4 =	vadd.s32 v4, v7;
	v2 =	vcvt.s32.f32 v2  }
0xbf: {  	v58 =	vld [tilespmem:s2+$0x10];
	[tilespmem:s2+$0x20] =	vst v13;
	v55 =	vadd.s32 v9, v15;
	v4 =	vcvt.s32.f32 v4;
	v1 =	vsel vm10, v1, v11  }
0xc0: {  	v59 =	vld [tilespmem:s2+$0x30];
	v8 =	vadd.s32 v8, v10;
	v6 =	vcvt.s32.f32 v55;
	v2 =	vsel vm1, v2, v12;
	[tilespmem:s2+$0xFFFFFFC0] =	vst v1  }
0xc1: {  	v3 =	vadd.s32 v3, v16;
	v61 =	vcvt.s32.f32 v8;
	v4 =	vsel vm11, v4, v54;
	[tilespmem:s2+$0xFFFFFFD0] =	vst v2  }
0xc2: {  	v0 =	vadd.s32 v0, v17;
	v62 =	vcvt.s32.f32 v3;
	v63 =	vsel vm12, v6, v56;
	[tilespmem:s2+$0xFFFFFFE0] =	vst v4  }
0xc3: {  	vm14 =	vlt.u32 v53, $0x10;
	v0 =	vcvt.s32.f32 v0;
	v1 =	vsel vm13, v61, v57;
	[tilespmem:s2+$0xFFFFFFF0] =	vst v63  }
0xc4: {  	vm15 =	vlt.u32 v60, $0x10;
	v2 =	vsel vm14, v62, v58;
	[tilespmem:s2+$0x0] =	vst v1  }
0xc5: {  	v0 =	vsel vm15, v0, v59;
	[tilespmem:s2+$0x10] =	vst v2  }
0xc6: {  	s1 =	simm.s32 $0x0;
	s31 =	simm.s32 $0x3;
	[tilespmem:s2+$0x30] =	vst v0  }
0xc7: {  	[hbm4b:s3+s1] =	stream.linear.scatter [tilespmem:s1], [sflag:$0x3], $0x800, $0x38;
	[tilespmem:$0xA80] =	vst v63  }
0xc8: {  	_ =	swait.ge [sflag:s31], $0x800  }
0xc9: {  	[sflag:s31] =	ssyncset.done $0x0  }
0xca: {  	[sflag:s31] =	ssyncadd.s32 $0xFFFFF800  }
0xcb: {  	_ =	sfence.sel $0x180000  }
0xcc: {  	[bflag:$0x0] =	sbarrier.arrive $0xFFFF  }
0xcd: {  	_ =	strace $0x90000047  }
0xce: {  	s0 =	sadd.s32 @!p0 $0x100000, s0;
	[bflag:$0x2] =	sbarrier.arrive $0xFFFF  }
0xcf: {  	[sflag:s0] =	ssyncadd.tile.s32 @!p0 $0x1;
	_ =	shalt  }
.Lfunc_end2:
_tile_overlayer_lowered:
.L_overlay_start_2:
0xd0: {  	(tag) =	ssettag $0x2  }
0xd1: {  	s0 =	rddreg [dreg:$0x0];
	s2 =	stileid.u32  }
0xd2: {  	s1 =	rddreg [dreg:$0x1];
	p0 =	sne.s32 s2, $0x0  }
0xd3: {  	s3 =	rddreg [dreg:$0x2];
	[bflag:$0x3] =	sbarrier.arrive $0xFFFF;
	s2 =	simm.s32 @!p0 $0x1C03  }
0xd4: {  	[timem:s3], [sflag:s2] =	dma.local @!p0 [hbm:s0], s1  }
0xd5: {  	s0 =	simm.s32 @!p0 $0x3  }
0xd6: {  	_ =	swait.ge @!p0 [sflag:s0], s1  }
0xd7: {  	s1 =	ssub.s32 @!p0 $0x0, s1;
	[sflag:s0] =	ssyncset.done @!p0 $0x0  }
0xd8: {  	[sflag:s0] =	ssyncadd.s32 @!p0 s1  }
0xd9: {  	[bflag:$0x3] =	sbarrier.arrive $0xFFFF  }
0xda: {  	_ =	shalt  }

</sc_bundles>
